<compile_context>
chip_gen: v7x
topology: tpu7x:2x2x1
jax: 0.10.2.dev20260603
libtpu: 0.0.44.dev20260713+nightly
codegen_flags: <defaults>
</compile_context>

<pallas_src>
import functools

import jax
import jax.numpy as jnp
from jax import lax
from jax.experimental import pallas as pl
from jax.experimental.pallas import tpu as pltpu
from jax.experimental.pallas import tpu_sc as plsc

N_CV = 10000
N_JOB = 10000
D_IN = 386
HID = 256
B = 4096

ROW_BLK = 2048
N_BLKS_PER_TYPE = -(-N_CV // ROW_BLK)
DEC_BLK = 1024

NW = 32
ROWS_PER_W = 2 * B // NW
IDX_CHUNK = 128
N_CHUNKS = ROWS_PER_W // IDX_CHUNK


def _chain_body(xcv_ref, xjob_ref, wpc_ref, bpc_ref, wpj_ref, bpj_ref,
                wr0_ref, b0_ref, wr1_ref, b1_ref, out_ref,
                acv_ref, ajob_ref, ccv_ref, cjob_ref):
    @pl.when(pl.program_id(0) == 0)
    def _():
        wr0 = wr0_ref[...]
        acv_ref[...] = jnp.dot(wpc_ref[...], wr0, preferred_element_type=jnp.float32)
        ajob_ref[...] = jnp.dot(wpj_ref[...], wr0, preferred_element_type=jnp.float32)
        ccv_ref[...] = jnp.dot(bpc_ref[...], wr0, preferred_element_type=jnp.float32) + b0_ref[...]
        cjob_ref[...] = jnp.dot(bpj_ref[...], wr0, preferred_element_type=jnp.float32) + b0_ref[...]

    is_cv = pl.program_id(0) < N_BLKS_PER_TYPE
    xt = jnp.where(is_cv, xcv_ref[...], xjob_ref[...])
    a = jnp.where(is_cv, acv_ref[...], ajob_ref[...])
    c = jnp.where(is_cv, ccv_ref[...], cjob_ref[...])
    h = lax.dot_general(xt, a, (((0,), (0,)), ((), ())),
                        preferred_element_type=jnp.float32) + c
    h = jnp.maximum(h, 0.0)
    h = jnp.dot(h, wr1_ref[...], preferred_element_type=jnp.float32) + b1_ref[...]
    h = jnp.maximum(h, 0.0)
    u = lax.bitcast_convert_type(h, jnp.uint32)
    half = jnp.uint32(0x8000)
    lo = (u[:, :HID // 2] + half) >> jnp.uint32(16)
    hi = (u[:, HID // 2:] + half) & jnp.uint32(0xFFFF0000)
    out_ref[...] = lax.bitcast_convert_type(lo | hi, jnp.int32)


def _chain(xcvT, xjobT, wpc, bpc, wpj, bpj, wr0, b0, wr1, b1):
    full = lambda a: pl.BlockSpec(a.shape, lambda i: (0,) * a.ndim)
    nb = N_BLKS_PER_TYPE
    return pl.pallas_call(
        _chain_body,
        grid=(2 * nb,),
        in_specs=[
            pl.BlockSpec((D_IN, ROW_BLK), lambda i: (0, jnp.minimum(i, nb - 1))),
            pl.BlockSpec((D_IN, ROW_BLK), lambda i: (0, jnp.maximum(i - nb, 0))),
            full(wpc), full(bpc), full(wpj), full(bpj),
            full(wr0), full(b0), full(wr1), full(b1),
        ],
        out_specs=pl.BlockSpec((ROW_BLK, HID // 2), lambda i: (i, 0)),
        out_shape=jax.ShapeDtypeStruct((2 * nb * ROW_BLK, HID // 2), jnp.int32),
        scratch_shapes=[
            pltpu.VMEM((D_IN, HID), jnp.float32),
            pltpu.VMEM((D_IN, HID), jnp.float32),
            pltpu.VMEM((1, HID), jnp.float32),
            pltpu.VMEM((1, HID), jnp.float32),
        ],
        compiler_params=pltpu.CompilerParams(
            dimension_semantics=("arbitrary",)),
    )(xcvT, xjobT, wpc, bpc, wpj, bpj, wr0, b0, wr1, b1)


def _sc_gather(table, idx3):
    mesh = plsc.VectorSubcoreMesh(core_axis_name="c", subcore_axis_name="s")

    @functools.partial(
        pl.kernel,
        mesh=mesh,
        out_type=jax.ShapeDtypeStruct((2 * B, HID // 2), jnp.int32),
        scratch_types=[
            pltpu.VMEM((N_CHUNKS, IDX_CHUNK), jnp.int32),
            pltpu.VMEM((ROWS_PER_W, HID // 2), jnp.int32),
            pltpu.SemaphoreType.DMA,
        ],
    )
    def k(table_hbm, idx_hbm, out_hbm, idx_v, rows_v, sem):
        wid = lax.axis_index("s") * 2 + lax.axis_index("c")
        base = wid * ROWS_PER_W
        pltpu.sync_copy(idx_hbm.at[wid], idx_v)
        copies = []
        for c in range(N_CHUNKS):
            copies.append(pltpu.async_copy(
                table_hbm.at[idx_v.at[c]],
                rows_v.at[pl.ds(c * IDX_CHUNK, IDX_CHUNK)],
                sem))
        for cp in copies:
            cp.wait()
        pltpu.sync_copy(rows_v, out_hbm.at[pl.ds(base, ROWS_PER_W)])

    return k(table, idx3)


def _unpack(zi):
    zu = lax.bitcast_convert_type(zi, jnp.uint32)
    lo = lax.bitcast_convert_type(zu << jnp.uint32(16), jnp.float32)
    hi = lax.bitcast_convert_type(zu & jnp.uint32(0xFFFF0000), jnp.float32)
    return jnp.concatenate([lo, hi], axis=1)


def _decode_body(zc_ref, zj_ref, w1a_ref, w1b_ref, b1_ref, w2r_ref, b2_ref, out_ref):
    zc = _unpack(zc_ref[...])
    zj = _unpack(zj_ref[...])
    h = (jnp.dot(zc, w1a_ref[0], preferred_element_type=jnp.float32)
         + jnp.dot(zj, w1b_ref[0], preferred_element_type=jnp.float32)
         + b1_ref[...])
    h = jnp.maximum(h, 0.0)
    o = lax.dot_general(w2r_ref[...], h, (((1,), (1,)), ((), ())),
                        preferred_element_type=jnp.float32)
    out_ref[...] = o + b2_ref[...]


def _decode(z, w1, db1, w2r, db2):
    grid = B // DEC_BLK
    full = lambda a: pl.BlockSpec(a.shape, lambda i: (0,) * a.ndim)
    return pl.pallas_call(
        _decode_body,
        grid=(grid,),
        in_specs=[
            pl.BlockSpec((DEC_BLK, HID // 2), lambda i: (i, 0)),
            pl.BlockSpec((DEC_BLK, HID // 2), lambda i: (i + B // DEC_BLK, 0)),
            pl.BlockSpec((1, HID, HID), lambda i: (0, 0, 0)),
            pl.BlockSpec((1, HID, HID), lambda i: (1, 0, 0)),
            full(db1), full(w2r),
            pl.BlockSpec((1, DEC_BLK), lambda i: (0, i)),
        ],
        out_specs=pl.BlockSpec((1, DEC_BLK), lambda i: (0, i)),
        out_shape=jax.ShapeDtypeStruct((1, B), jnp.float32),
        compiler_params=pltpu.CompilerParams(
            dimension_semantics=("arbitrary",)),
    )(z, z, w1, w1, db1, w2r, db2)


def kernel(x_cv, x_job, x_skill, x_seniority, ei_has_skill, ei_requires_skill,
           ei_cv_sen, ei_job_sen, cv_indices, job_indices,
           proj_w_cv, proj_b_cv, proj_w_job, proj_b_job,
           proj_w_skill, proj_b_skill, proj_w_sen, proj_b_sen,
           w_rel_0, w_root_0, b_0, w_rel_1, w_root_1, b_1,
           dec_w1, dec_b1, dec_w2, dec_b2):
    table = _chain(
        x_cv.T, x_job.T,
        proj_w_cv, proj_b_cv[None, :], proj_w_job, proj_b_job[None, :],
        w_root_0, b_0[None, :], w_root_1, b_1[None, :])

    idx = jnp.concatenate([
        cv_indices.astype(jnp.int32),
        job_indices.astype(jnp.int32) + N_BLKS_PER_TYPE * ROW_BLK])
    z = _sc_gather(table, idx.reshape(NW, N_CHUNKS, IDX_CHUNK))

    return _decode(z, dec_w1.reshape(2, HID, HID), dec_b1[None, :],
                   dec_w2.T, jnp.broadcast_to(dec_b2, (1, B))).reshape(B)

# --- scband reference (transcript-rebuilt; emitter-appended) ---
"""Pipeline reference for scband-hetero-rgcn-9328668967671 (READ-ONLY COPY).

The authoritative reference and input builder live on the scoring server;
editing this copy changes nothing except your own understanding.
"""

import jax, jax.numpy as jnp
import numpy as np

N_CV = 10000
N_JOB = 10000
N_SKILL = 5000
N_SEN = 6
N_TOTAL = N_CV + N_JOB + N_SKILL + N_SEN
HID = 256
R = 4
B = 4096
E_SKILL = 100000
E_SEN = 10000


def _lin(k, fin, fout):
    return jax.random.normal(k, (fin, fout), jnp.float32) / np.sqrt(fin)


def setup_inputs(seed: int = 0):
    key = jax.random.key(seed)
    ks = jax.random.split(key, 28)
    inp = {}
    inp['x_cv'] = jax.random.normal(ks[0], (N_CV, 386), jnp.float32)
    inp['x_job'] = jax.random.normal(ks[1], (N_JOB, 386), jnp.float32)
    inp['x_skill'] = jax.random.normal(ks[2], (N_SKILL, 385), jnp.float32)
    inp['x_seniority'] = jax.random.normal(ks[3], (N_SEN, 6), jnp.float32)
    inp['ei_has_skill'] = jax.random.randint(ks[4], (2, E_SKILL), 0, 5000)
    inp['ei_requires_skill'] = jax.random.randint(ks[5], (2, E_SKILL), 0, 5000)
    inp['ei_cv_sen'] = jax.random.randint(ks[6], (2, E_SEN), 0, 6)
    inp['ei_job_sen'] = jax.random.randint(ks[7], (2, E_SEN), 0, 6)
    inp['cv_indices'] = jax.random.randint(ks[8], (B,), 0, N_CV)
    inp['job_indices'] = jax.random.randint(ks[9], (B,), 0, N_JOB)
    inp['proj_w_cv'] = _lin(ks[10], 386, HID)
    inp['proj_b_cv'] = jnp.zeros((HID,), jnp.float32)
    inp['proj_w_job'] = _lin(ks[11], 386, HID)
    inp['proj_b_job'] = jnp.zeros((HID,), jnp.float32)
    inp['proj_w_skill'] = _lin(ks[12], 385, HID)
    inp['proj_b_skill'] = jnp.zeros((HID,), jnp.float32)
    inp['proj_w_sen'] = _lin(ks[13], 6, HID)
    inp['proj_b_sen'] = jnp.zeros((HID,), jnp.float32)
    inp['w_rel_0'] = jax.random.normal(ks[14], (R, HID, HID), jnp.float32) / np.sqrt(HID)
    inp['w_root_0'] = _lin(ks[15], HID, HID)
    inp['b_0'] = jnp.zeros((HID,), jnp.float32)
    inp['w_rel_1'] = jax.random.normal(ks[16], (R, HID, HID), jnp.float32) / np.sqrt(HID)
    inp['w_root_1'] = _lin(ks[17], HID, HID)
    inp['b_1'] = jnp.zeros((HID,), jnp.float32)
    inp['dec_w1'] = _lin(ks[18], 2 * HID, HID)
    inp['dec_b1'] = jnp.zeros((HID,), jnp.float32)
    inp['dec_w2'] = _lin(ks[19], HID, 1)
    inp['dec_b2'] = jnp.zeros((1,), jnp.float32)
    return inp


def _rgcn_layer(x, src, dst, etype, w_rel, w_root, bias):
    # relation-specific transform then gather (faithful to RGCNConv without bases)
    H = jnp.einsum('nd,rdf->rnf', x, w_rel)  # [R, N, F]
    msg = H[etype, src]  # [E, F]
    seg_key = etype * N_TOTAL + dst
    ssum = jax.ops.segment_sum(msg, seg_key, num_segments=R * N_TOTAL)
    cnt = jax.ops.segment_sum(jnp.ones((msg.shape[0],), x.dtype), seg_key, num_segments=R * N_TOTAL)
    mean = ssum / jnp.maximum(cnt, 1.0)[:, None]  # per-relation mean aggregation
    agg = mean.reshape(R, N_TOTAL, -1).sum(axis=0)
    return agg + x @ w_root + bias


def _forward(x_cv, x_job, x_skill, x_seniority,
             proj_w_cv, proj_b_cv, proj_w_job, proj_b_job,
             proj_w_skill, proj_b_skill, proj_w_sen, proj_b_sen,
             w_rel_0, w_root_0, b_0, w_rel_1, w_root_1, b_1,
             dec_w1, dec_b1, dec_w2, dec_b2,
             ei_has_skill, ei_requires_skill, ei_cv_sen, ei_job_sen,
             cv_indices, job_indices):
    h_cv = x_cv @ proj_w_cv + proj_b_cv
    h_job = x_job @ proj_w_job + proj_b_job
    h_skill = x_skill @ proj_w_skill + proj_b_skill
    h_sen = x_seniority @ proj_w_sen + proj_b_sen
    x = jnp.concatenate([h_cv, h_job, h_skill, h_sen], axis=0)
    off_job = N_CV
    off_skill = N_CV + N_JOB
    off_sen = N_CV + N_JOB + N_SKILL
    src = jnp.concatenate([
        ei_has_skill[0],
        ei_requires_skill[0] + off_job,
        ei_cv_sen[0],
        ei_job_sen[0] + off_job])
    dst = jnp.concatenate([
        ei_has_skill[1] + off_skill,
        ei_requires_skill[1] + off_skill,
        ei_cv_sen[1] + off_sen,
        ei_job_sen[1] + off_sen])
    etype = jnp.concatenate([
        jnp.zeros((E_SKILL,), jnp.int32),
        jnp.ones((E_SKILL,), jnp.int32),
        jnp.full((E_SEN,), 2, jnp.int32),
        jnp.full((E_SEN,), 3, jnp.int32)])
    x = jax.nn.relu(_rgcn_layer(x, src, dst, etype, w_rel_0, w_root_0, b_0))
    x = jax.nn.relu(_rgcn_layer(x, src, dst, etype, w_rel_1, w_root_1, b_1))
    z_cv = x[:N_CV][cv_indices]
    z_job = x[off_job:off_job + N_JOB][job_indices]
    z = jnp.concatenate([z_cv, z_job], axis=-1)
    z = jax.nn.relu(z @ dec_w1 + dec_b1)
    return (z @ dec_w2 + dec_b2)[:, 0]


def reference(x_cv, x_job, x_skill, x_seniority,
              ei_has_skill, ei_requires_skill, ei_cv_sen, ei_job_sen,
              cv_indices, job_indices,
              proj_w_cv, proj_b_cv, proj_w_job, proj_b_job,
              proj_w_skill, proj_b_skill, proj_w_sen, proj_b_sen,
              w_rel_0, w_root_0, b_0, w_rel_1, w_root_1, b_1,
              dec_w1, dec_b1, dec_w2, dec_b2):
    return _forward(x_cv, x_job, x_skill, x_seniority,
                    proj_w_cv, proj_b_cv, proj_w_job, proj_b_job,
                    proj_w_skill, proj_b_skill, proj_w_sen, proj_b_sen,
                    w_rel_0, w_root_0, b_0, w_rel_1, w_root_1, b_1,
                    dec_w1, dec_b1, dec_w2, dec_b2,
                    ei_has_skill, ei_requires_skill, ei_cv_sen, ei_job_sen,
                    cv_indices, job_indices)

if __name__ == "__main__":
    import jax
    _d = setup_inputs()
    print(jax.jit(kernel)(*tuple(_d.values())))

</pallas_src>

<mosaic_0001>
#map = affine_map<(d0, d1) -> (0, 0)>
#map1 = affine_map<(d0, d1) -> (0, 0, 0)>
module attributes {stable_mosaic.version = 14 : i64} {
  func.func @k(%arg0: i32, %arg1: i32, %arg2: memref<20480x128xi32, #tpu.memory_space<hbm>>, %arg3: memref<32x2x128xi32, #tpu.memory_space<hbm>>, %arg4: memref<8192x128xi32, #tpu.memory_space<hbm>>, %arg5: memref<2x128xi32, #tpu.memory_space<vmem>>, %arg6: memref<256x128xi32, #tpu.memory_space<vmem>>, %arg7: memref<!tpu.dma_semaphore, #tpu.memory_space<semaphore_mem>>) attributes {dimension_semantics = [#tpu.dimension_semantics<core_parallel>, #tpu.dimension_semantics<subcore_parallel>], iteration_bounds = array<i64: 2, 16>, scalar_prefetch = 0 : i64, scratch_operands = 3 : i64, tpu.core_type = #tpu.core_type<sc_vector_subcore>, window_params = [{transform_indices = #map}, {transform_indices = #map1}, {transform_indices = #map}]} {
    %mul3A = arith.constant 2 : i32
    %mul3A_0 = arith.muli %arg1, %mul3A : i32
    %add3A = arith.addi %mul3A_0, %arg0 : i32
    %mul3A_1 = arith.constant 256 : i32
    %mul3A_2 = arith.muli %add3A, %mul3A_1 : i32
    "tpu.region"() ({
      %run_scoped3A = tpu.sem_alloc : memref<!tpu.dma_semaphore, #tpu.memory_space<semaphore_mem>>
      %dma_start3A_41 = arith.constant 0 : i32
      %dma_start3A_42 = arith.constant 0 : i32
      %dma_start3A_43 = tpu.memref_slice %arg3[%add3A, %dma_start3A_41, %dma_start3A_42] : memref<32x2x128xi32, #tpu.memory_space<hbm>> -> memref<1x2x128xi32, #tpu.memory_space<hbm>>
      %dma_start3A_44 = tpu.memref_squeeze %dma_start3A_43 : memref<1x2x128xi32, #tpu.memory_space<hbm>> -> memref<2x128xi32, #tpu.memory_space<hbm>>
      %dma_start3A_45 = arith.constant 0 : i32
      %dma_start3A_46 = arith.constant 0 : i32
      %dma_start3A_47 = tpu.memref_slice %arg3[%add3A, %dma_start3A_45, %dma_start3A_46] : memref<32x2x128xi32, #tpu.memory_space<hbm>> -> memref<1x2x128xi32, #tpu.memory_space<hbm>>
      %dma_start3A_48 = tpu.memref_squeeze %dma_start3A_47 : memref<1x2x128xi32, #tpu.memory_space<hbm>> -> memref<2x128xi32, #tpu.memory_space<hbm>>
      tpu.enqueue_dma source(%dma_start3A_48 : memref<2x128xi32, #tpu.memory_space<hbm>>) target(%arg5 : memref<2x128xi32, #tpu.memory_space<vmem>>) target_semaphore(%run_scoped3A : memref<!tpu.dma_semaphore, #tpu.memory_space<semaphore_mem>>)
      %dma_wait3A_49 = arith.constant 0 : i32
      %dma_wait3A_50 = arith.constant 0 : i32
      %dma_wait3A_51 = tpu.memref_slice %arg3[%add3A, %dma_wait3A_49, %dma_wait3A_50] : memref<32x2x128xi32, #tpu.memory_space<hbm>> -> memref<1x2x128xi32, #tpu.memory_space<hbm>>
      %dma_wait3A_52 = tpu.memref_squeeze %dma_wait3A_51 : memref<1x2x128xi32, #tpu.memory_space<hbm>> -> memref<2x128xi32, #tpu.memory_space<hbm>>
      %dma_wait3A_53 = arith.constant 0 : i32
      %dma_wait3A_54 = arith.constant 0 : i32
      %dma_wait3A_55 = tpu.memref_slice %arg3[%add3A, %dma_wait3A_53, %dma_wait3A_54] : memref<32x2x128xi32, #tpu.memory_space<hbm>> -> memref<1x2x128xi32, #tpu.memory_space<hbm>>
      %dma_wait3A_56 = tpu.memref_squeeze %dma_wait3A_55 : memref<1x2x128xi32, #tpu.memory_space<hbm>> -> memref<2x128xi32, #tpu.memory_space<hbm>>
      tpu.wait_dma2 semaphore(%run_scoped3A : memref<!tpu.dma_semaphore, #tpu.memory_space<semaphore_mem>>) src(%dma_wait3A_56 : memref<2x128xi32, #tpu.memory_space<hbm>>) dst(%arg5 : memref<2x128xi32, #tpu.memory_space<vmem>>)
      tpu.yield
    }) : () -> ()
    %dma_start3A = arith.constant 0 : i32
    %dma_start3A_3 = arith.constant 0 : i32
    %dma_start3A_4 = arith.constant 0 : i32
    %dma_start3A_5 = tpu.memref_slice %arg6[%dma_start3A_3, %dma_start3A_4] : memref<256x128xi32, #tpu.memory_space<vmem>> -> memref<128x128xi32, #tpu.memory_space<vmem>>
    %dma_start3A_6 = arith.constant 0 : i32
    %dma_start3A_7 = tpu.memref_slice %arg5[%dma_start3A, %dma_start3A_6] : memref<2x128xi32, #tpu.memory_space<vmem>> -> memref<1x128xi32, #tpu.memory_space<vmem>>
    %dma_start3A_8 = tpu.memref_squeeze %dma_start3A_7 : memref<1x128xi32, #tpu.memory_space<vmem>> -> memref<128xi32, #tpu.memory_space<vmem>>
    %dma_start3A_9 = arith.constant 0 : i32
    %dma_start3A_10 = arith.constant 0 : i32
    %dma_start3A_11 = tpu.memref_slice %arg2[%dma_start3A_9, %dma_start3A_10] : memref<20480x128xi32, #tpu.memory_space<hbm>> -> memref<20480x128xi32, #tpu.memory_space<hbm>>
    tpu.enqueue_indirect_dma source(%dma_start3A_11 : memref<20480x128xi32, #tpu.memory_space<hbm>>) target(%dma_start3A_5 : memref<128x128xi32, #tpu.memory_space<vmem>>) offsets(%dma_start3A_8 : memref<128xi32, #tpu.memory_space<vmem>>) semaphore(%arg7 : memref<!tpu.dma_semaphore, #tpu.memory_space<semaphore_mem>>)
    %dma_start3A_12 = arith.constant 1 : i32
    %dma_start3A_13 = arith.constant 128 : i32
    %dma_start3A_14 = arith.constant 0 : i32
    %dma_start3A_15 = tpu.memref_slice %arg6[%dma_start3A_13, %dma_start3A_14] : memref<256x128xi32, #tpu.memory_space<vmem>> -> memref<128x128xi32, #tpu.memory_space<vmem>>
    %dma_start3A_16 = arith.constant 0 : i32
    %dma_start3A_17 = tpu.memref_slice %arg5[%dma_start3A_12, %dma_start3A_16] : memref<2x128xi32, #tpu.memory_space<vmem>> -> memref<1x128xi32, #tpu.memory_space<vmem>>
    %dma_start3A_18 = tpu.memref_squeeze %dma_start3A_17 : memref<1x128xi32, #tpu.memory_space<vmem>> -> memref<128xi32, #tpu.memory_space<vmem>>
    %dma_start3A_19 = arith.constant 0 : i32
    %dma_start3A_20 = arith.constant 0 : i32
    %dma_start3A_21 = tpu.memref_slice %arg2[%dma_start3A_19, %dma_start3A_20] : memref<20480x128xi32, #tpu.memory_space<hbm>> -> memref<20480x128xi32, #tpu.memory_space<hbm>>
    tpu.enqueue_indirect_dma source(%dma_start3A_21 : memref<20480x128xi32, #tpu.memory_space<hbm>>) target(%dma_start3A_15 : memref<128x128xi32, #tpu.memory_space<vmem>>) offsets(%dma_start3A_18 : memref<128xi32, #tpu.memory_space<vmem>>) semaphore(%arg7 : memref<!tpu.dma_semaphore, #tpu.memory_space<semaphore_mem>>)
    %dma_wait3A = arith.constant 0 : i32
    %dma_wait3A_22 = arith.constant 0 : i32
    %dma_wait3A_23 = arith.constant 0 : i32
    %dma_wait3A_24 = tpu.memref_slice %arg6[%dma_wait3A_22, %dma_wait3A_23] : memref<256x128xi32, #tpu.memory_space<vmem>> -> memref<128x128xi32, #tpu.memory_space<vmem>>
    %dma_wait3A_25 = arith.constant 0 : i32
    %dma_wait3A_26 = tpu.memref_slice %arg5[%dma_wait3A, %dma_wait3A_25] : memref<2x128xi32, #tpu.memory_space<vmem>> -> memref<1x128xi32, #tpu.memory_space<vmem>>
    %dma_wait3A_27 = tpu.memref_squeeze %dma_wait3A_26 : memref<1x128xi32, #tpu.memory_space<vmem>> -> memref<128xi32, #tpu.memory_space<vmem>>
    %dma_wait3A_28 = arith.constant 0 : i32
    %dma_wait3A_29 = arith.constant 0 : i32
    %dma_wait3A_30 = tpu.memref_slice %arg2[%dma_wait3A_28, %dma_wait3A_29] : memref<20480x128xi32, #tpu.memory_space<hbm>> -> memref<20480x128xi32, #tpu.memory_space<hbm>>
    tpu.wait_indirect_dma semaphore(%arg7 : memref<!tpu.dma_semaphore, #tpu.memory_space<semaphore_mem>>) src(%dma_wait3A_30 : memref<20480x128xi32, #tpu.memory_space<hbm>>) dst(%dma_wait3A_24 : memref<128x128xi32, #tpu.memory_space<vmem>>)
    %dma_wait3A_31 = arith.constant 1 : i32
    %dma_wait3A_32 = arith.constant 128 : i32
    %dma_wait3A_33 = arith.constant 0 : i32
    %dma_wait3A_34 = tpu.memref_slice %arg6[%dma_wait3A_32, %dma_wait3A_33] : memref<256x128xi32, #tpu.memory_space<vmem>> -> memref<128x128xi32, #tpu.memory_space<vmem>>
    %dma_wait3A_35 = arith.constant 0 : i32
    %dma_wait3A_36 = tpu.memref_slice %arg5[%dma_wait3A_31, %dma_wait3A_35] : memref<2x128xi32, #tpu.memory_space<vmem>> -> memref<1x128xi32, #tpu.memory_space<vmem>>
    %dma_wait3A_37 = tpu.memref_squeeze %dma_wait3A_36 : memref<1x128xi32, #tpu.memory_space<vmem>> -> memref<128xi32, #tpu.memory_space<vmem>>
    %dma_wait3A_38 = arith.constant 0 : i32
    %dma_wait3A_39 = arith.constant 0 : i32
    %dma_wait3A_40 = tpu.memref_slice %arg2[%dma_wait3A_38, %dma_wait3A_39] : memref<20480x128xi32, #tpu.memory_space<hbm>> -> memref<20480x128xi32, #tpu.memory_space<hbm>>
    tpu.wait_indirect_dma semaphore(%arg7 : memref<!tpu.dma_semaphore, #tpu.memory_space<semaphore_mem>>) src(%dma_wait3A_40 : memref<20480x128xi32, #tpu.memory_space<hbm>>) dst(%dma_wait3A_34 : memref<128x128xi32, #tpu.memory_space<vmem>>)
    "tpu.region"() ({
      %run_scoped3A = tpu.sem_alloc : memref<!tpu.dma_semaphore, #tpu.memory_space<semaphore_mem>>
      %dma_start3A_41 = arith.constant 0 : i32
      %dma_start3A_42 = tpu.memref_slice %arg4[%mul3A_2, %dma_start3A_41] : memref<8192x128xi32, #tpu.memory_space<hbm>> -> memref<256x128xi32, #tpu.memory_space<hbm>>
      %dma_start3A_43 = arith.constant 0 : i32
      %dma_start3A_44 = tpu.memref_slice %arg4[%mul3A_2, %dma_start3A_43] : memref<8192x128xi32, #tpu.memory_space<hbm>> -> memref<256x128xi32, #tpu.memory_space<hbm>>
      tpu.enqueue_dma source(%arg6 : memref<256x128xi32, #tpu.memory_space<vmem>>) target(%dma_start3A_44 : memref<256x128xi32, #tpu.memory_space<hbm>>) target_semaphore(%run_scoped3A : memref<!tpu.dma_semaphore, #tpu.memory_space<semaphore_mem>>)
      %dma_wait3A_45 = arith.constant 0 : i32
      %dma_wait3A_46 = tpu.memref_slice %arg4[%mul3A_2, %dma_wait3A_45] : memref<8192x128xi32, #tpu.memory_space<hbm>> -> memref<256x128xi32, #tpu.memory_space<hbm>>
      %dma_wait3A_47 = arith.constant 0 : i32
      %dma_wait3A_48 = tpu.memref_slice %arg4[%mul3A_2, %dma_wait3A_47] : memref<8192x128xi32, #tpu.memory_space<hbm>> -> memref<256x128xi32, #tpu.memory_space<hbm>>
      tpu.wait_dma2 semaphore(%run_scoped3A : memref<!tpu.dma_semaphore, #tpu.memory_space<semaphore_mem>>) src(%arg6 : memref<256x128xi32, #tpu.memory_space<vmem>>) dst(%dma_wait3A_48 : memref<256x128xi32, #tpu.memory_space<hbm>>)
      tpu.yield
    }) : () -> ()
    return
  }
}

module attributes {stable_mosaic.version = 14 : i64} {
  func.func @_chain_body(%arg0: i32, %arg1: memref<386x2048xf32, #tpu.memory_space<vmem>>, %arg2: memref<386x2048xf32, #tpu.memory_space<vmem>>, %arg3: memref<386x256xf32, #tpu.memory_space<vmem>>, %arg4: memref<1x256xf32, #tpu.memory_space<vmem>>, %arg5: memref<386x256xf32, #tpu.memory_space<vmem>>, %arg6: memref<1x256xf32, #tpu.memory_space<vmem>>, %arg7: memref<256x256xf32, #tpu.memory_space<vmem>>, %arg8: memref<1x256xf32, #tpu.memory_space<vmem>>, %arg9: memref<256x256xf32, #tpu.memory_space<vmem>>, %arg10: memref<1x256xf32, #tpu.memory_space<vmem>>, %arg11: memref<2048x128xi32, #tpu.memory_space<vmem>>, %arg12: memref<386x256xf32, #tpu.memory_space<vmem>>, %arg13: memref<386x256xf32, #tpu.memory_space<vmem>>, %arg14: memref<1x256xf32, #tpu.memory_space<vmem>>, %arg15: memref<1x256xf32, #tpu.memory_space<vmem>>) attributes {dimension_semantics = [#tpu.dimension_semantics<arbitrary>], iteration_bounds = array<i64: 10>, scalar_prefetch = 0 : i64, scratch_operands = 4 : i64, tpu.core_type = #tpu.core_type<tc>, window_params = [{transform_indices = @transform_0, window_bounds = array<i64: 386, 2048>}, {transform_indices = @transform_1, window_bounds = array<i64: 386, 2048>}, {pipeline_mode = #tpu.pipeline_mode<synchronous>, transform_indices = @transform_2, window_bounds = array<i64: 386, 256>}, {pipeline_mode = #tpu.pipeline_mode<synchronous>, transform_indices = @transform_3, window_bounds = array<i64: 1, 256>}, {pipeline_mode = #tpu.pipeline_mode<synchronous>, transform_indices = @transform_4, window_bounds = array<i64: 386, 256>}, {pipeline_mode = #tpu.pipeline_mode<synchronous>, transform_indices = @transform_5, window_bounds = array<i64: 1, 256>}, {pipeline_mode = #tpu.pipeline_mode<synchronous>, transform_indices = @transform_6, window_bounds = array<i64: 256, 256>}, {pipeline_mode = #tpu.pipeline_mode<synchronous>, transform_indices = @transform_7, window_bounds = array<i64: 1, 256>}, {pipeline_mode = #tpu.pipeline_mode<synchronous>, transform_indices = @transform_8, window_bounds = array<i64: 256, 256>}, {pipeline_mode = #tpu.pipeline_mode<synchronous>, transform_indices = @transform_9, window_bounds = array<i64: 1, 256>}, {transform_indices = @transform_10, window_bounds = array<i64: 2048, 128>}]} {
    %eq3A = arith.constant 0 : i32
    %eq3A_0 = arith.cmpi eq, %arg0, %eq3A : i32
    %convert_element_type3A = arith.extui %eq3A_0 : i1 to i32
    %cond3A = arith.constant 0 : i32
    %cond3A_1 = arith.cmpi ne, %convert_element_type3A, %cond3A : i32
    scf.if %cond3A_1 {
      %get3A_53 = arith.constant 0 : index
      %get3A_54 = arith.constant 0 : index
      %get3A_55 = vector.load %arg7[%get3A_53, %get3A_54] : memref<256x256xf32, #tpu.memory_space<vmem>>, vector<256x256xf32>
      %get3A_56 = arith.constant 0 : index
      %get3A_57 = arith.constant 0 : index
      %get3A_58 = vector.load %arg3[%get3A_56, %get3A_57] : memref<386x256xf32, #tpu.memory_space<vmem>>, vector<386x256xf32>
      %dot_general3A_59 = arith.constant dense<0.000000e+00> : vector<386x256xf32>
      %dot_general3A_60 = tpu.matmul %get3A_58, %get3A_55, %dot_general3A_59 {dimension_numbers = #tpu.dot_dimension_numbers<[1], [0], [0], [1], [0, 0, 1, 1], [], []>, transpose_lhs_hint = false} : vector<386x256xf32>, vector<256x256xf32>, vector<386x256xf32> -> vector<386x256xf32>
      %swap3A_61 = arith.constant 0 : index
      %swap3A_62 = arith.constant 0 : index
      %swap3A_63 = vector.load %arg12[%swap3A_61, %swap3A_62] : memref<386x256xf32, #tpu.memory_space<vmem>>, vector<386x256xf32>
      tpu.vector_store %arg12[%swap3A_61, %swap3A_62], %dot_general3A_60 {strides = array<i32>} : memref<386x256xf32, #tpu.memory_space<vmem>>, vector<386x256xf32>,
      %get3A_64 = arith.constant 0 : index
      %get3A_65 = arith.constant 0 : index
      %get3A_66 = vector.load %arg5[%get3A_64, %get3A_65] : memref<386x256xf32, #tpu.memory_space<vmem>>, vector<386x256xf32>
      %dot_general3A_67 = arith.constant dense<0.000000e+00> : vector<386x256xf32>
      %dot_general3A_68 = tpu.matmul %get3A_66, %get3A_55, %dot_general3A_67 {dimension_numbers = #tpu.dot_dimension_numbers<[1], [0], [0], [1], [0, 0, 1, 1], [], []>, transpose_lhs_hint = false} : vector<386x256xf32>, vector<256x256xf32>, vector<386x256xf32> -> vector<386x256xf32>
      %swap3A_69 = arith.constant 0 : index
      %swap3A_70 = arith.constant 0 : index
      %swap3A_71 = vector.load %arg13[%swap3A_69, %swap3A_70] : memref<386x256xf32, #tpu.memory_space<vmem>>, vector<386x256xf32>
      tpu.vector_store %arg13[%swap3A_69, %swap3A_70], %dot_general3A_68 {strides = array<i32>} : memref<386x256xf32, #tpu.memory_space<vmem>>, vector<386x256xf32>,
      %get3A_72 = arith.constant 0 : index
      %get3A_73 = arith.constant 0 : index
      %get3A_74 = vector.load %arg4[%get3A_72, %get3A_73] : memref<1x256xf32, #tpu.memory_space<vmem>>, vector<1x256xf32>
      %dot_general3A_75 = arith.constant dense<0.000000e+00> : vector<1x256xf32>
      %dot_general3A_76 = tpu.matmul %get3A_74, %get3A_55, %dot_general3A_75 {dimension_numbers = #tpu.dot_dimension_numbers<[1], [0], [0], [1], [0, 0, 1, 1], [], []>, transpose_lhs_hint = false} : vector<1x256xf32>, vector<256x256xf32>, vector<1x256xf32> -> vector<1x256xf32>
      %get3A_77 = arith.constant 0 : index
      %get3A_78 = arith.constant 0 : index
      %get3A_79 = vector.load %arg8[%get3A_77, %get3A_78] : memref<1x256xf32, #tpu.memory_space<vmem>>, vector<1x256xf32>
      %add3A_80 = arith.addf %dot_general3A_76, %get3A_79 : vector<1x256xf32>
      %swap3A_81 = arith.constant 0 : index
      %swap3A_82 = arith.constant 0 : index
      %swap3A_83 = vector.load %arg14[%swap3A_81, %swap3A_82] : memref<1x256xf32, #tpu.memory_space<vmem>>, vector<1x256xf32>
      tpu.vector_store %arg14[%swap3A_81, %swap3A_82], %add3A_80 {strides = array<i32>} : memref<1x256xf32, #tpu.memory_space<vmem>>, vector<1x256xf32>,
      %get3A_84 = arith.constant 0 : index
      %get3A_85 = arith.constant 0 : index
      %get3A_86 = vector.load %arg6[%get3A_84, %get3A_85] : memref<1x256xf32, #tpu.memory_space<vmem>>, vector<1x256xf32>
      %dot_general3A_87 = arith.constant dense<0.000000e+00> : vector<1x256xf32>
      %dot_general3A_88 = tpu.matmul %get3A_86, %get3A_55, %dot_general3A_87 {dimension_numbers = #tpu.dot_dimension_numbers<[1], [0], [0], [1], [0, 0, 1, 1], [], []>, transpose_lhs_hint = false} : vector<1x256xf32>, vector<256x256xf32>, vector<1x256xf32> -> vector<1x256xf32>
      %get3A_89 = arith.constant 0 : index
      %get3A_90 = arith.constant 0 : index
      %get3A_91 = vector.load %arg8[%get3A_89, %get3A_90] : memref<1x256xf32, #tpu.memory_space<vmem>>, vector<1x256xf32>
      %add3A_92 = arith.addf %dot_general3A_88, %get3A_91 : vector<1x256xf32>
      %swap3A_93 = arith.constant 0 : index
      %swap3A_94 = arith.constant 0 : index
      %swap3A_95 = vector.load %arg15[%swap3A_93, %swap3A_94] : memref<1x256xf32, #tpu.memory_space<vmem>>, vector<1x256xf32>
      tpu.vector_store %arg15[%swap3A_93, %swap3A_94], %add3A_92 {strides = array<i32>} : memref<1x256xf32, #tpu.memory_space<vmem>>, vector<1x256xf32>,
    } else {
    }
    %lt3A = arith.constant 5 : i32
    %lt3A_2 = arith.cmpi slt, %arg0, %lt3A : i32
    %get3A = arith.constant 0 : index
    %get3A_3 = arith.constant 0 : index
    %get3A_4 = vector.load %arg1[%get3A, %get3A_3] : memref<386x2048xf32, #tpu.memory_space<vmem>>, vector<386x2048xf32>
    %get3A_5 = arith.constant 0 : index
    %get3A_6 = arith.constant 0 : index
    %get3A_7 = vector.load %arg2[%get3A_5, %get3A_6] : memref<386x2048xf32, #tpu.memory_space<vmem>>, vector<386x2048xf32>
    %select_n3A = arith.select %lt3A_2, %get3A_4, %get3A_7 : vector<386x2048xf32>
    %get3A_8 = arith.constant 0 : index
    %get3A_9 = arith.constant 0 : index
    %get3A_10 = vector.load %arg12[%get3A_8, %get3A_9] : memref<386x256xf32, #tpu.memory_space<vmem>>, vector<386x256xf32>
    %get3A_11 = arith.constant 0 : index
    %get3A_12 = arith.constant 0 : index
    %get3A_13 = vector.load %arg13[%get3A_11, %get3A_12] : memref<386x256xf32, #tpu.memory_space<vmem>>, vector<386x256xf32>
    %select_n3A_14 = arith.select %lt3A_2, %get3A_10, %get3A_13 : vector<386x256xf32>
    %get3A_15 = arith.constant 0 : index
    %get3A_16 = arith.constant 0 : index
    %get3A_17 = vector.load %arg14[%get3A_15, %get3A_16] : memref<1x256xf32, #tpu.memory_space<vmem>>, vector<1x256xf32>
    %get3A_18 = arith.constant 0 : index
    %get3A_19 = arith.constant 0 : index
    %get3A_20 = vector.load %arg15[%get3A_18, %get3A_19] : memref<1x256xf32, #tpu.memory_space<vmem>>, vector<1x256xf32>
    %select_n3A_21 = arith.select %lt3A_2, %get3A_17, %get3A_20 : vector<1x256xf32>
    %dot_general3A = arith.constant dense<0.000000e+00> : vector<2048x256xf32>
    %dot_general3A_22 = tpu.matmul %select_n3A, %select_n3A_14, %dot_general3A {dimension_numbers = #tpu.dot_dimension_numbers<[0], [0], [1], [1], [0, 1, 1, 1], [], []>, transpose_lhs_hint = false} : vector<386x2048xf32>, vector<386x256xf32>, vector<2048x256xf32> -> vector<2048x256xf32>
    %add3A = vector.broadcast %select_n3A_21 : vector<1x256xf32> to vector<2048x256xf32>
    %add3A_23 = arith.addf %dot_general3A_22, %add3A : vector<2048x256xf32>
    %max3A = arith.constant 0.000000e+00 : f32
    %max3A_24 = vector.broadcast %max3A : f32 to vector<2048x256xf32>
    %max3A_25 = arith.maximumf %add3A_23, %max3A_24 : vector<2048x256xf32>
    %get3A_26 = arith.constant 0 : index
    %get3A_27 = arith.constant 0 : index
    %get3A_28 = vector.load %arg9[%get3A_26, %get3A_27] : memref<256x256xf32, #tpu.memory_space<vmem>>, vector<256x256xf32>
    %dot_general3A_29 = arith.constant dense<0.000000e+00> : vector<2048x256xf32>
    %dot_general3A_30 = tpu.matmul %max3A_25, %get3A_28, %dot_general3A_29 {dimension_numbers = #tpu.dot_dimension_numbers<[1], [0], [0], [1], [0, 0, 1, 1], [], []>, transpose_lhs_hint = false} : vector<2048x256xf32>, vector<256x256xf32>, vector<2048x256xf32> -> vector<2048x256xf32>
    %get3A_31 = arith.constant 0 : index
    %get3A_32 = arith.constant 0 : index
    %get3A_33 = vector.load %arg10[%get3A_31, %get3A_32] : memref<1x256xf32, #tpu.memory_space<vmem>>, vector<1x256xf32>
    %add3A_34 = vector.broadcast %get3A_33 : vector<1x256xf32> to vector<2048x256xf32>
    %add3A_35 = arith.addf %dot_general3A_30, %add3A_34 : vector<2048x256xf32>
    %max3A_36 = arith.constant 0.000000e+00 : f32
    %max3A_37 = vector.broadcast %max3A_36 : f32 to vector<2048x256xf32>
    %max3A_38 = arith.maximumf %add3A_35, %max3A_37 : vector<2048x256xf32>
    %bitcast_convert_type3A = tpu.bitcast %max3A_38 : vector<2048x256xf32> -> vector<2048x256xi32>
    %slice3A = vector.extract_strided_slice %bitcast_convert_type3A {offsets = [0, 0], sizes = [2048, 128], strides = [1, 1]} : vector<2048x256xi32> to vector<2048x128xi32>
    %add3A_39 = arith.constant 32768 : i32
    %add3A_40 = vector.broadcast %add3A_39 : i32 to vector<2048x128xi32>
    %add3A_41 = arith.addi %slice3A, %add3A_40 : vector<2048x128xi32>
    %shift_right_logical3A = arith.constant 16 : i32
    %shift_right_logical3A_42 = vector.broadcast %shift_right_logical3A : i32 to vector<2048x128xi32>
    %shift_right_logical3A_43 = arith.shrui %add3A_41, %shift_right_logical3A_42 : vector<2048x128xi32>
    %slice3A_44 = vector.extract_strided_slice %bitcast_convert_type3A {offsets = [0, 128], sizes = [2048, 128], strides = [1, 1]} : vector<2048x256xi32> to vector<2048x128xi32>
    %add3A_45 = arith.constant 32768 : i32
    %add3A_46 = vector.broadcast %add3A_45 : i32 to vector<2048x128xi32>
    %add3A_47 = arith.addi %slice3A_44, %add3A_46 : vector<2048x128xi32>
    %and3A = arith.constant -65536 : i32
    %and3A_48 = vector.broadcast %and3A : i32 to vector<2048x128xi32>
    %and3A_49 = arith.andi %add3A_47, %and3A_48 : vector<2048x128xi32>
    %or3A = arith.ori %shift_right_logical3A_43, %and3A_49 : vector<2048x128xi32>
    %bitcast_convert_type3A_50 = tpu.bitcast %or3A : vector<2048x128xi32> -> vector<2048x128xi32>
    %swap3A = arith.constant 0 : index
    %swap3A_51 = arith.constant 0 : index
    %swap3A_52 = vector.load %arg11[%swap3A, %swap3A_51] : memref<2048x128xi32, #tpu.memory_space<vmem>>, vector<2048x128xi32>
    tpu.vector_store %arg11[%swap3A, %swap3A_51], %bitcast_convert_type3A_50 {strides = array<i32>} : memref<2048x128xi32, #tpu.memory_space<vmem>>, vector<2048x128xi32>,
    return
  }
  func.func @transform_0(%arg0: i32) -> (i32, i32) {
    %min3A = arith.constant 4 : i32
    %min3A_0 = arith.minsi %arg0, %min3A : i32
    %c0_i32 = arith.constant 0 : i32
    %c0_i32_1 = arith.constant 0 : i32
    return %c0_i32, %min3A_0 : i32, i32
  }
  func.func @transform_1(%arg0: i32) -> (i32, i32) {
    %sub3A = arith.constant 5 : i32
    %sub3A_0 = arith.subi %arg0, %sub3A : i32
    %max3A = arith.constant 0 : i32
    %max3A_1 = arith.maxsi %sub3A_0, %max3A : i32
    %c0_i32 = arith.constant 0 : i32
    %c0_i32_2 = arith.constant 0 : i32
    return %c0_i32, %max3A_1 : i32, i32
  }
  func.func @transform_2(%arg0: i32) -> (i32, i32) {
    %c0_i32 = arith.constant 0 : i32
    %c0_i32_0 = arith.constant 0 : i32
    %c0_i32_1 = arith.constant 0 : i32
    return %c0_i32, %c0_i32_0 : i32, i32
  }
  func.func @transform_3(%arg0: i32) -> (i32, i32) {
    %c0_i32 = arith.constant 0 : i32
    %c0_i32_0 = arith.constant 0 : i32
    %c0_i32_1 = arith.constant 0 : i32
    return %c0_i32, %c0_i32_0 : i32, i32
  }
  func.func @transform_4(%arg0: i32) -> (i32, i32) {
    %c0_i32 = arith.constant 0 : i32
    %c0_i32_0 = arith.constant 0 : i32
    %c0_i32_1 = arith.constant 0 : i32
    return %c0_i32, %c0_i32_0 : i32, i32
  }
  func.func @transform_5(%arg0: i32) -> (i32, i32) {
    %c0_i32 = arith.constant 0 : i32
    %c0_i32_0 = arith.constant 0 : i32
    %c0_i32_1 = arith.constant 0 : i32
    return %c0_i32, %c0_i32_0 : i32, i32
  }
  func.func @transform_6(%arg0: i32) -> (i32, i32) {
    %c0_i32 = arith.constant 0 : i32
    %c0_i32_0 = arith.constant 0 : i32
    %c0_i32_1 = arith.constant 0 : i32
    return %c0_i32, %c0_i32_0 : i32, i32
  }
  func.func @transform_7(%arg0: i32) -> (i32, i32) {
    %c0_i32 = arith.constant 0 : i32
    %c0_i32_0 = arith.constant 0 : i32
    %c0_i32_1 = arith.constant 0 : i32
    return %c0_i32, %c0_i32_0 : i32, i32
  }
  func.func @transform_8(%arg0: i32) -> (i32, i32) {
    %c0_i32 = arith.constant 0 : i32
    %c0_i32_0 = arith.constant 0 : i32
    %c0_i32_1 = arith.constant 0 : i32
    return %c0_i32, %c0_i32_0 : i32, i32
  }
  func.func @transform_9(%arg0: i32) -> (i32, i32) {
    %c0_i32 = arith.constant 0 : i32
    %c0_i32_0 = arith.constant 0 : i32
    %c0_i32_1 = arith.constant 0 : i32
    return %c0_i32, %c0_i32_0 : i32, i32
  }
  func.func @transform_10(%arg0: i32) -> (i32, i32) {
    %c0_i32 = arith.constant 0 : i32
    %c0_i32_0 = arith.constant 0 : i32
    return %arg0, %c0_i32 : i32, i32
  }
}

module attributes {stable_mosaic.version = 14 : i64} {
  func.func @_decode_body(%arg0: i32, %arg1: memref<1024x128xi32, #tpu.memory_space<vmem>>, %arg2: memref<1024x128xi32, #tpu.memory_space<vmem>>, %arg3: memref<1x256x256xf32, #tpu.memory_space<vmem>>, %arg4: memref<1x256x256xf32, #tpu.memory_space<vmem>>, %arg5: memref<1x256xf32, #tpu.memory_space<vmem>>, %arg6: memref<1x256xf32, #tpu.memory_space<vmem>>, %arg7: memref<1x1024xf32, #tpu.memory_space<vmem>>, %arg8: memref<1x1024xf32, #tpu.memory_space<vmem>>) attributes {dimension_semantics = [#tpu.dimension_semantics<arbitrary>], iteration_bounds = array<i64: 4>, scalar_prefetch = 0 : i64, scratch_operands = 0 : i64, tpu.core_type = #tpu.core_type<tc>, window_params = [{transform_indices = @transform_0, window_bounds = array<i64: 1024, 128>}, {transform_indices = @transform_1, window_bounds = array<i64: 1024, 128>}, {transform_indices = @transform_2, window_bounds = array<i64: 1, 256, 256>}, {transform_indices = @transform_3, window_bounds = array<i64: 1, 256, 256>}, {pipeline_mode = #tpu.pipeline_mode<synchronous>, transform_indices = @transform_4, window_bounds = array<i64: 1, 256>}, {pipeline_mode = #tpu.pipeline_mode<synchronous>, transform_indices = @transform_5, window_bounds = array<i64: 1, 256>}, {transform_indices = @transform_6, window_bounds = array<i64: 1, 1024>}, {transform_indices = @transform_7, window_bounds = array<i64: 1, 1024>}]} {
    %get3A = arith.constant 0 : index
    %get3A_0 = arith.constant 0 : index
    %get3A_1 = vector.load %arg1[%get3A, %get3A_0] : memref<1024x128xi32, #tpu.memory_space<vmem>>, vector<1024x128xi32>
    %bitcast_convert_type3A = tpu.bitcast %get3A_1 : vector<1024x128xi32> -> vector<1024x128xi32>
    %shift_left3A = arith.constant 16 : i32
    %shift_left3A_2 = vector.broadcast %shift_left3A : i32 to vector<1024x128xi32>
    %shift_left3A_3 = arith.shli %bitcast_convert_type3A, %shift_left3A_2 : vector<1024x128xi32>
    %bitcast_convert_type3A_4 = tpu.bitcast %shift_left3A_3 : vector<1024x128xi32> -> vector<1024x128xf32>
    %and3A = arith.constant -65536 : i32
    %and3A_5 = vector.broadcast %and3A : i32 to vector<1024x128xi32>
    %and3A_6 = arith.andi %bitcast_convert_type3A, %and3A_5 : vector<1024x128xi32>
    %bitcast_convert_type3A_7 = tpu.bitcast %and3A_6 : vector<1024x128xi32> -> vector<1024x128xf32>
    %concatenate3A = tpu.concatenate %bitcast_convert_type3A_4, %bitcast_convert_type3A_7 in 1 : vector<1024x128xf32>, vector<1024x128xf32> -> vector<1024x256xf32>
    %get3A_8 = arith.constant 0 : index
    %get3A_9 = arith.constant 0 : index
    %get3A_10 = vector.load %arg2[%get3A_8, %get3A_9] : memref<1024x128xi32, #tpu.memory_space<vmem>>, vector<1024x128xi32>
    %bitcast_convert_type3A_11 = tpu.bitcast %get3A_10 : vector<1024x128xi32> -> vector<1024x128xi32>
    %shift_left3A_12 = arith.constant 16 : i32
    %shift_left3A_13 = vector.broadcast %shift_left3A_12 : i32 to vector<1024x128xi32>
    %shift_left3A_14 = arith.shli %bitcast_convert_type3A_11, %shift_left3A_13 : vector<1024x128xi32>
    %bitcast_convert_type3A_15 = tpu.bitcast %shift_left3A_14 : vector<1024x128xi32> -> vector<1024x128xf32>
    %and3A_16 = arith.constant -65536 : i32
    %and3A_17 = vector.broadcast %and3A_16 : i32 to vector<1024x128xi32>
    %and3A_18 = arith.andi %bitcast_convert_type3A_11, %and3A_17 : vector<1024x128xi32>
    %bitcast_convert_type3A_19 = tpu.bitcast %and3A_18 : vector<1024x128xi32> -> vector<1024x128xf32>
    %concatenate3A_20 = tpu.concatenate %bitcast_convert_type3A_15, %bitcast_convert_type3A_19 in 1 : vector<1024x128xf32>, vector<1024x128xf32> -> vector<1024x256xf32>
    %get3A_21 = arith.constant 0 : index
    %get3A_22 = arith.constant 0 : index
    %get3A_23 = arith.constant 0 : index
    %get3A_24 = vector.load %arg3[%get3A_21, %get3A_22, %get3A_23] : memref<1x256x256xf32, #tpu.memory_space<vmem>>, vector<1x256x256xf32>
    %get3A_25 = vector.shape_cast %get3A_24 : vector<1x256x256xf32> to vector<256x256xf32>
    %dot_general3A = arith.constant dense<0.000000e+00> : vector<1024x256xf32>
    %dot_general3A_26 = tpu.matmul %concatenate3A, %get3A_25, %dot_general3A {dimension_numbers = #tpu.dot_dimension_numbers<[1], [0], [0], [1], [0, 0, 1, 1], [], []>, transpose_lhs_hint = false} : vector<1024x256xf32>, vector<256x256xf32>, vector<1024x256xf32> -> vector<1024x256xf32>
    %get3A_27 = arith.constant 0 : index
    %get3A_28 = arith.constant 0 : index
    %get3A_29 = arith.constant 0 : index
    %get3A_30 = vector.load %arg4[%get3A_27, %get3A_28, %get3A_29] : memref<1x256x256xf32, #tpu.memory_space<vmem>>, vector<1x256x256xf32>
    %get3A_31 = vector.shape_cast %get3A_30 : vector<1x256x256xf32> to vector<256x256xf32>
    %dot_general3A_32 = arith.constant dense<0.000000e+00> : vector<1024x256xf32>
    %dot_general3A_33 = tpu.matmul %concatenate3A_20, %get3A_31, %dot_general3A_32 {dimension_numbers = #tpu.dot_dimension_numbers<[1], [0], [0], [1], [0, 0, 1, 1], [], []>, transpose_lhs_hint = false} : vector<1024x256xf32>, vector<256x256xf32>, vector<1024x256xf32> -> vector<1024x256xf32>
    %add3A = arith.addf %dot_general3A_26, %dot_general3A_33 : vector<1024x256xf32>
    %get3A_34 = arith.constant 0 : index
    %get3A_35 = arith.constant 0 : index
    %get3A_36 = vector.load %arg5[%get3A_34, %get3A_35] : memref<1x256xf32, #tpu.memory_space<vmem>>, vector<1x256xf32>
    %add3A_37 = vector.broadcast %get3A_36 : vector<1x256xf32> to vector<1024x256xf32>
    %add3A_38 = arith.addf %add3A, %add3A_37 : vector<1024x256xf32>
    %max3A = arith.constant 0.000000e+00 : f32
    %max3A_39 = vector.broadcast %max3A : f32 to vector<1024x256xf32>
    %max3A_40 = arith.maximumf %add3A_38, %max3A_39 : vector<1024x256xf32>
    %get3A_41 = arith.constant 0 : index
    %get3A_42 = arith.constant 0 : index
    %get3A_43 = vector.load %arg6[%get3A_41, %get3A_42] : memref<1x256xf32, #tpu.memory_space<vmem>>, vector<1x256xf32>
    %dot_general3A_44 = arith.constant dense<0.000000e+00> : vector<1x1024xf32>
    %dot_general3A_45 = tpu.matmul %get3A_43, %max3A_40, %dot_general3A_44 {dimension_numbers = #tpu.dot_dimension_numbers<[1], [1], [0], [0], [0, 0, 1, 0], [], []>, transpose_lhs_hint = false} : vector<1x256xf32>, vector<1024x256xf32>, vector<1x1024xf32> -> vector<1x1024xf32>
    %get3A_46 = arith.constant 0 : index
    %get3A_47 = arith.constant 0 : index
    %get3A_48 = vector.load %arg7[%get3A_46, %get3A_47] : memref<1x1024xf32, #tpu.memory_space<vmem>>, vector<1x1024xf32>
    %add3A_49 = arith.addf %dot_general3A_45, %get3A_48 : vector<1x1024xf32>
    %swap3A = arith.constant 0 : index
    %swap3A_50 = arith.constant 0 : index
    %swap3A_51 = vector.load %arg8[%swap3A, %swap3A_50] : memref<1x1024xf32, #tpu.memory_space<vmem>>, vector<1x1024xf32>
    tpu.vector_store %arg8[%swap3A, %swap3A_50], %add3A_49 {strides = array<i32>} : memref<1x1024xf32, #tpu.memory_space<vmem>>, vector<1x1024xf32>,
    return
  }
  func.func @transform_0(%arg0: i32) -> (i32, i32) {
    %c0_i32 = arith.constant 0 : i32
    %c0_i32_0 = arith.constant 0 : i32
    return %arg0, %c0_i32 : i32, i32
  }
  func.func @transform_1(%arg0: i32) -> (i32, i32) {
    %add3A = arith.constant 4 : i32
    %add3A_0 = arith.addi %arg0, %add3A : i32
    %c0_i32 = arith.constant 0 : i32
    %c0_i32_1 = arith.constant 0 : i32
    return %add3A_0, %c0_i32 : i32, i32
  }
  func.func @transform_2(%arg0: i32) -> (i32, i32, i32) {
    %c0_i32 = arith.constant 0 : i32
    %c0_i32_0 = arith.constant 0 : i32
    %c0_i32_1 = arith.constant 0 : i32
    %c0_i32_2 = arith.constant 0 : i32
    return %c0_i32, %c0_i32_0, %c0_i32_1 : i32, i32, i32
  }
  func.func @transform_3(%arg0: i32) -> (i32, i32, i32) {
    %c1_i32 = arith.constant 1 : i32
    %c0_i32 = arith.constant 0 : i32
    %c0_i32_0 = arith.constant 0 : i32
    %c0_i32_1 = arith.constant 0 : i32
    return %c1_i32, %c0_i32, %c0_i32_0 : i32, i32, i32
  }
  func.func @transform_4(%arg0: i32) -> (i32, i32) {
    %c0_i32 = arith.constant 0 : i32
    %c0_i32_0 = arith.constant 0 : i32
    %c0_i32_1 = arith.constant 0 : i32
    return %c0_i32, %c0_i32_0 : i32, i32
  }
  func.func @transform_5(%arg0: i32) -> (i32, i32) {
    %c0_i32 = arith.constant 0 : i32
    %c0_i32_0 = arith.constant 0 : i32
    %c0_i32_1 = arith.constant 0 : i32
    return %c0_i32, %c0_i32_0 : i32, i32
  }
  func.func @transform_6(%arg0: i32) -> (i32, i32) {
    %c0_i32 = arith.constant 0 : i32
    %c0_i32_0 = arith.constant 0 : i32
    return %c0_i32, %arg0 : i32, i32
  }
  func.func @transform_7(%arg0: i32) -> (i32, i32) {
    %c0_i32 = arith.constant 0 : i32
    %c0_i32_0 = arith.constant 0 : i32
    return %c0_i32, %arg0 : i32, i32
  }
}

</mosaic_0001>

<sc_bundles>
// kernel: kernel.5.cloned.1.call-start
scs
__scs_entry_jumppad:
0x0: {  	(pc) =	sbr.rel $0x88, $3  }
0x1: {  	(tag) =	ssettag $0x0;
	lr =	simm.s32 $0x1  }
0x2: {  	[smem:$0x3F91] =	sst lr;
	_ =	strace $0xD0000000  }
0x3: {  	_ = 	snop  }
0x4: {  	_ = 	snop  }
0x5: {  	_ = 	snop  }
0x6: {  	_ = 	snop  }
0x7: {  	_ = 	snop  }
__scs_overlays_trampoline_lowered:
0x8: {  	[smem:$0x3FA0] =	sst s0  }
0x9: {  	[smem:$0x3FA1] =	sst s1  }
0xa: {  	[smem:$0x3FA2] =	sst s2  }
0xb: {  	[smem:$0x3FA3] =	sst s3  }
0xc: {  	[smem:$0x3FA4] =	sst s4  }
0xd: {  	[smem:$0x3FA5] =	sst s5  }
0xe: {  	[smem:$0x3FA6] =	sst s6  }
0xf: {  	[smem:$0x3FA7] =	sst s7  }
0x10: {  	[smem:$0x3FA8] =	sst s8  }
0x11: {  	[smem:$0x3FA9] =	sst s9;
	s0 =	simm.s32 @!p0 $0x0  }
0x12: {  	s1 =	sld [smem:$0x3F8F];
	s0 =	simm.s32 @p0 $0x1  }
0x13: {  	[smem:$0x3FAA] =	sst s0;
	s0 =	simm.s32 @!p1 $0x0  }
0x14: {  	s2 =	sld [smem:$0x3F8E];
	s0 =	simm.s32 @p1 $0x1  }
0x15: {  	[smem:$0x3FAB] =	sst s0;
	s0 =	simm.s32 @!p2 $0x0  }
0x16: {  	s3 =	sld [smem:$0x3FDB];
	s0 =	simm.s32 @p2 $0x1  }
0x17: {  	s4 =	simm.s32 $0x1BF5;
	[smem:$0x3FAD] =	sst s0  }
0x18: {  	s0 =	sld [smem:$0x3F90];
	_ =	swait.ge [sflag:s4], $0x0  }
0x19: {  	s7 =	sld [smem:$0x3F91]  }
0x1a: {  	s8 =	sadd.s32 $0xFFFFE003, lr  }
0x1b: {  	s9 =	sadd.s32 $0xFFFFFEF7, lr;
	s5 =	simm.s32 $0xFFFFFFFF;
	p2 =	slt.u32 s8, $0xFFFFF086  }
0x1c: {  	p1 =	slt.u32 s9, $0xF7A;
	s5 =	simm.s32 @!p2 $0x0  }
0x1d: {  	s5 =	simm.s32 @p1 $0x1;
	p0 =	seq.s32 s7, s2  }
0x1e: {  	s7 =	smul.u32 @!p0 $0xF7A, s2;
	p2 =	seq.s32 @!p0 s5, $0x0  }
0x1f: {  	s9 =	smul.u32 $0xF7A, s1;
	s8 =	simm.s32 @!p0 $0x1BF5;
	p2 =	por !p2, p0  }
0x20: {  	[sflag:s8] =	ssyncset.s32 @!p0 $0xFFFFF086;
	s6 =	sadd.s32 @!p0 s3, s7;
	s7 =	simm.s32 @!p0 $0x108  }
0x21: {  	s3 =	sadd.s32 s3, s9;
	s6 =	sadd.s32 @!p0 $0x88, s6;
	s7 =	simm.s32 @p2 $0x1082  }
0x22: {  	[simem:s7], [sflag:s8] =	dma.local @!p0 [hbm:s6], $0xF7A  }
0x23: {  	s9 =	sor.u32 $0xD0000000, s2;
	s6 =	simm.s32 $0x108;
	_ =	swait.ge @!p0 [sflag:s8], $0x0  }
0x24: {  	s3 =	sadd.s32 $0x88, s3;
	s6 =	simm.s32 @!p1 $0x1082;
	[sflag:s4] =	ssyncset.s32 $0xFFFFF086  }
0x25: {  	[simem:s6], [sflag:s4] =	dma.local [hbm:s3], $0xF7A  }
0x26: {  	[smem:$0x3F91] =	sst s1;
	(tag) =	ssettag s2;
	_ =	strace s9  }
0x27: {  	s1 =	sld [smem:$0x3FA1]  }
0x28: {  	s2 =	sld [smem:$0x3FA2]  }
0x29: {  	s4 =	sld [smem:$0x3FA4]  }
0x2a: {  	p0 =	seq.s32 s5, $0x0;
	s5 =	sld [smem:$0x3FA5]  }
0x2b: {  	s6 =	sld [smem:$0x3FA6]  }
0x2c: {  	s7 =	sld [smem:$0x3FA7]  }
0x2d: {  	s3 =	simm.s32 $0x108;
	s8 =	sld [smem:$0x3FA8]  }
0x2e: {  	s3 =	simm.s32 @!p0 $0x1082;
	s9 =	sld [smem:$0x3FA9]  }
0x2f: {  	lr =	sadd.s32 s0, s3;
	s0 =	sld [smem:$0x3FA0]  }
0x30: {  	s3 =	sld [smem:$0x3FA3]  }
0x31: {  	[smem:$0x3FAC] =	sst s10  }
0x32: {  	s10 =	sld [smem:$0x3FAA];
	_ =	sdelay $0x3  }
0x33: {  	p0 =	seq.s32 s10, $0x1;
	s10 =	sld [smem:$0x3FAC];
	_ =	sdelay $0x3  }
0x34: {  	[smem:$0x3FAC] =	sst s10  }
0x35: {  	s10 =	sld [smem:$0x3FAB];
	_ =	sdelay $0x3  }
0x36: {  	p1 =	seq.s32 s10, $0x1;
	s10 =	sld [smem:$0x3FAC];
	_ =	sdelay $0x3  }
0x37: {  	[smem:$0x3FAC] =	sst s10  }
0x38: {  	s10 =	sld [smem:$0x3FAD]  }
0x39: {  	_ = 	snop;
	(pc) =	sbr.ind lr, $3  }
0x3a: {  	_ = 	snop  }
0x3b: {  	_ = 	snop  }
0x3c: {  	p2 =	seq.s32 s10, $0x1;
	s10 =	sld [smem:$0x3FAC]  }
0x3d: {  	_ =	shalt  }
0x3e: {  	_ =	shalt  }
0x3f: {  	_ =	shalt  }
0x40: {  	_ =	shalt  }
0x41: {  	_ =	shalt  }
0x42: {  	_ =	shalt  }
0x43: {  	_ =	shalt  }
0x44: {  	_ =	shalt  }
0x45: {  	_ =	shalt  }
0x46: {  	_ =	shalt  }
0x47: {  	_ =	shalt  }
0x48: {  	_ =	shalt  }
0x49: {  	_ =	shalt  }
0x4a: {  	_ =	shalt  }
0x4b: {  	_ =	shalt  }
0x4c: {  	_ =	shalt  }
0x4d: {  	_ =	shalt  }
0x4e: {  	_ =	shalt  }
0x4f: {  	_ =	shalt  }
0x50: {  	_ =	shalt  }
0x51: {  	_ =	shalt  }
0x52: {  	_ =	shalt  }
0x53: {  	_ =	shalt  }
0x54: {  	_ =	shalt  }
0x55: {  	_ =	shalt  }
0x56: {  	_ =	shalt  }
0x57: {  	_ =	shalt  }
0x58: {  	_ =	shalt  }
0x59: {  	_ =	shalt  }
0x5a: {  	_ =	shalt  }
0x5b: {  	_ =	shalt  }
0x5c: {  	_ =	shalt  }
0x5d: {  	_ =	shalt  }
0x5e: {  	_ =	shalt  }
0x5f: {  	_ =	shalt  }
0x60: {  	_ =	shalt  }
0x61: {  	_ =	shalt  }
0x62: {  	_ =	shalt  }
0x63: {  	_ =	shalt  }
0x64: {  	_ =	shalt  }
0x65: {  	_ =	shalt  }
0x66: {  	_ =	shalt  }
0x67: {  	_ =	shalt  }
0x68: {  	_ =	shalt  }
0x69: {  	_ =	shalt  }
0x6a: {  	_ =	shalt  }
0x6b: {  	_ =	shalt  }
0x6c: {  	_ =	shalt  }
0x6d: {  	_ =	shalt  }
0x6e: {  	_ =	shalt  }
0x6f: {  	_ =	shalt  }
0x70: {  	_ =	shalt  }
0x71: {  	_ =	shalt  }
0x72: {  	_ =	shalt  }
0x73: {  	_ =	shalt  }
0x74: {  	_ =	shalt  }
0x75: {  	_ =	shalt  }
0x76: {  	_ =	shalt  }
0x77: {  	_ =	shalt  }
0x78: {  	_ =	shalt  }
0x79: {  	_ =	shalt  }
0x7a: {  	_ =	shalt  }
0x7b: {  	_ =	shalt  }
0x7c: {  	_ =	shalt  }
0x7d: {  	_ =	shalt  }
0x7e: {  	_ =	shalt  }
0x7f: {  	_ =	shalt  }
0x80: {  	_ =	shalt  }
0x81: {  	_ =	shalt  }
0x82: {  	_ =	shalt  }
0x83: {  	_ =	shalt  }
0x84: {  	_ =	shalt  }
0x85: {  	_ =	shalt  }
0x86: {  	_ =	shalt  }
0x87: {  	_ =	shalt  }
.Lfunc_end0:
.L_simem_size_0:
called_computation_lowered:
.L_overlay_start_0:
0x88: {  	s2 =	sld [smem:$0x3FD9]  }
0x89: {  	s3 =	sld [smem:$0x3FFE];
	_ =	sdelay $0x1  }
0x8a: {  	s1 =	srdreg.scid  }
0x8b: {  	s0 =	sand.u32 $0x1, s1  }
0x8c: {  	s16 =	sshll.u32 s0, $0xA;
	s2 =	sadd.s32 s3, s2  }
0x8d: {  	s2 =	sadd.s32 s2, s16  }
0x8e: {  	[smem:$0x3FB8] =	sst s2  }
0x8f: {  	_ = 	snop  }
0x90: {  	(tm) =	ssettm $0x1  }
0x91: {  	s17 =	sld [smem:$0x3FFB];
	_ =	sdelay $0x3  }
0x92: {  	_ =	strace s17  }
0x93: {  	s2 =	sld [smem:$0x3FFC];
	_ =	sdelay $0x3  }
0x94: {  	_ =	strace s2  }
0x95: {  	s2 =	sld [smem:$0x3FFD];
	_ =	sdelay $0x3  }
0x96: {  	_ =	strace s2  }
0x97: {  	_ =	strace $0x8FFFFFFF  }
0x98: {  	s18 =	sld [smem:$0x3FDB];
	_ =	sdelay $0x1  }
0x99: {  	s19 =	simm.s32 $_scs_section_size  }
0x9a: {  	s4 =	simm.s32 $_size__tile_overlayer_lowered;
	s5 =	simm.s32 $_tile_overlayer_lowered  }
0x9b: {  	s22 =	simm.s32 $0x1BFF;
	s21 =	sshll.u32 s5, $0x1;
	s2 =	sadd.s32 s19, s18  }
0x9c: {  	s6 =	simm.s32 $0x0;
	s20 =	sshll.u32 s4, $0x1;
	s4 =	sadd.s32 s21, s2  }
0x9d: {  	[timem:s6], [sflag:s22] =	dma.local [hbm:s4], s20  }
0x9e: {  	_ =	swait.ge [sflag:s22], s20  }
0x9f: {  	s3 =	ssub.s32 $0x0, s20;
	[sflag:s22] =	ssyncset.done $0x0  }
0xa0: {  	[sflag:s22] =	ssyncadd.s32 s3;
	_ =	sdelay $0x1  }
0xa1: {  	s23 =	simm.s32 $0x1B8B  }
0xa2: {  	_ =	swait.ge [sflag:s23], $0x1  }
0xa3: {  	[sflag:s23] =	ssyncset.done $0x0  }
0xa4: {  	s25 =	simm.s32 $0x1B8E;
	s24 =	sld [smem:$0x3FFE];
	[sflag:s23] =	ssyncadd.s32 $0xFFFFFFFF  }
0xa5: {  	s26 =	simm.s32 $execute0_lowered;
	[smem:$0x3FD2] =	sst s25  }
0xa6: {  	s4 =	sshll.u32 s26, $0x1;
	_ =	strace $0x80000046;
	[dreg:$0x1] =	wrdreg $0xFFFFFFFF  }
0xa7: {  	s28 =	simm.s32 $_size_execute0_lowered;
	s2 =	sadd.s32 s2, s4;
	[dreg:$0x0] =	wrdreg $0x0  }
0xa8: {  	s4 =	sshll.u32 s28, $0x1;
	[dreg:$0x2] =	wrdreg s2  }
0xa9: {  	[dreg:$0x3] =	wrdreg s4  }
0xaa: {  	[dreg:$0x4] =	wrdreg $0xC0  }
0xab: {  	_ =	task [dreg:s6], $0x5FFFF  }
0xac: {  	[dreg:$0x1] =	wrdreg $0xFFFFFFFF  }
0xad: {  	[dreg:$0x0] =	wrdreg $0x60  }
0xae: {  	[dreg:$0x2] =	wrdreg s24  }
0xaf: {  	[dreg:$0x3] =	wrdreg $0x9  }
0xb0: {  	_ =	task.clear_ibuf [dreg:s6], $0x4FFFF;
	_ =	strace $0x90000046  }
0xb1: {  	s29 =	simm.s32 $0x9;
	_ =	strace $0x80000048  }
0xb2: {  	_ =	swait.ge [sflag:s29], $0x1  }
0xb3: {  	[sflag:s29] =	ssyncadd.s32 $0xFFFFFFFF  }
0xb4: {  	_ =	strace $0x90000048  }
0xb5: {  	_ =	sfence  }
0xb6: {  	s30 =	sld [smem:$0x0];
	_ =	sdelay $0x2  }
0xb7: {  	s31 =	sshll.u32 s1, $0xD;
	s1 =	sshrl.u32 s1, $0x2  }
0xb8: {  	s3 =	sand.u32 $0x4000, s31;
	s1 =	sadd.s32 s1, s30  }
0xb9: {  	s0 =	sor.u32 s3, s0;
	s1 =	sshll.u32 s1, $0x11  }
0xba: {  	s0 =	sor.u32 s1, s0  }
0xbb: {  	s0 =	sadd.s32 $0x8F2B, s0  }
0xbc: {  	[sflag:s0] =	ssyncadd.remote.s32 $0x1  }
0xbd: {  	_ =	sfence.sel $0xFFFF  }
0xbe: {  	[dreg:$0x0] =	wrdreg $0xFFFFFFFF;
	(pc) =	sbr.abs _section_cstart, $3  }
0xbf: {  	[dreg:$0x1] =	wrdreg $0xFFFFFFFF  }
0xc0: {  	_ =	task.clear_ibuf [dreg:s6], $0x2FFFF;
	_ =	strace $0x9FFFFFFF  }
0xc1: {  	(tm) =	ssettm $0x7FFFFFFF  }
tec
execute0_lowered:
.L_overlay_start_1:
0x0: {  	(tag) =	ssettag $0x1  }
0x1: {  	s1 =	srdreg.scid  }
0x2: {  	s0 =	stileid.u32;
	s10 =	sand.u32 $0x1, s1  }
0x3: {  	s29 =	sshll.u32 s0, $0x9;
	s2 =	sshll.u32 s10, $0x8  }
0x4: {  	s11 =	rddreg [dreg:$0x0];
	s12 =	sor.u32 s2, s29  }
0x5: {  	s1 =	rddreg [dreg:$0x1];
	s2 =	simm.s32 $0x0;
	s3 =	sshrl.u32 s12, $0x3  }
0x6: {  	[smem:$0x7FF] =	sst s2;
	s3 =	sadd.s32 s3, s11  }
0x7: {  	_ =	strace $0x80000047;
	s4 =	sadd.s32 $0x1E00, s3;
	s3 =	simm.s32 $0x2  }
0x8: {  	[tilespmem:s2], [sflag:$0x2] =	stream.linear.gather [hbm4b:s4+s2], $0x100, $0x38;
	[tilespmem:$0x8100] =	vst v63  }
0x9: {  	_ =	swait.ge [sflag:s3], $0x100  }
0xa: {  	s6 =	simm.s32 $0x80;
	[sflag:s3] =	ssyncset.done $0x0  }
0xb: {  	s7 =	simm.s32 $0x100;
	s5 =	sadd.s32 $0x2200, s11;
	[sflag:s3] =	ssyncadd.s32 $0xFFFFFF00  }
0xc: {  	[tilespmem:s7], [sflag:$0x1] =	stream.indirect.gather [hbm4b:s5+s6], $0x80, s2, s6, $0xb8;
	[tilespmem:$0x8100] =	vst v63  }
0xd: {  	s8 =	simm.s32 $0x4100;
	s9 =	simm.s32 $0x1;
	s10 =	ssub.s32 $0x2, s10  }
0xe: {  	[tilespmem:s8], [sflag:$0x1] =	stream.indirect.gather [hbm4b:s5+s6], $0x80, s6, s6, $0xb8;
	[tilespmem:$0x8100] =	vst v63  }
0xf: {  	s13 =	sshrl.u32 s10, $0x1;
	_ =	swait.ge [sflag:s9], $0x4000  }
0x10: {  	s30 =	ssub.s32 s10, s13;
	[sflag:s9] =	ssyncset.done $0x0  }
0x11: {  	s31 =	smax.u32 s30, $0x1;
	[sflag:s9] =	ssyncadd.s32 $0xFFFFC000  }
0x12: {  	s12 =	sshll.u32 s12, $0x4;
	p0 =	sne.s32 s31, $0x1;
	_ =	swait.ge [sflag:s9], $0x4000  }
.Ltmp0:
0x13: {  	s11 =	sadd.s32 s12, s11;
	[sflag:s9] =	ssyncset.done $0x0;
	(pc) =	sbr.rel @!p0 .LBB2_2-.Ltmp0, $4  }
0x14: {  	s10 =	sadd.s32 $0x52200, s11;
	[sflag:s9] =	ssyncadd.s32 $0xFFFFC000  }
0x15: {  	[hbm4b:s10+s2] =	stream.linear.scatter [tilespmem:s7], [sflag:$0x2], $0x8000, $0x38;
	[tilespmem:$0x8100] =	vst v63  }
0x16: {  	_ =	swait.ge [sflag:s3], $0x8000  }
0x17: {  	s11 =	sadd.s32 $0xFFFFFFFF, s31;
	[sflag:s3] =	ssyncset.done $0x0  }
.LBB2_1:
0x18: {  	p0 =	sne.s32 s11, $0x1;
	s11 =	sadd.s32 $0xFFFFFFFF, s11;
	[sflag:s3] =	ssyncadd.s32 $0xFFFF8000  }
0x19: {  	[tilespmem:s2], [sflag:$0x2] =	stream.linear.gather [hbm4b:s4+s2], $0x100, $0x38;
	[tilespmem:$0x8100] =	vst v63  }
0x1a: {  	_ =	swait.ge [sflag:s3], $0x100  }
0x1b: {  	[sflag:s3] =	ssyncset.done $0x0  }
0x1c: {  	[sflag:s3] =	ssyncadd.s32 $0xFFFFFF00  }
0x1d: {  	[tilespmem:s7], [sflag:$0x1] =	stream.indirect.gather [hbm4b:s5+s6], $0x80, s2, s6, $0xb8;
	[tilespmem:$0x8100] =	vst v63  }
0x1e: {  	_ = 	snop  }
0x1f: {  	[tilespmem:s8], [sflag:$0x1] =	stream.indirect.gather [hbm4b:s5+s6], $0x80, s6, s6, $0xb8;
	[tilespmem:$0x8100] =	vst v63  }
0x20: {  	_ =	swait.ge [sflag:s9], $0x4000  }
0x21: {  	[sflag:s9] =	ssyncset.done $0x0  }
0x22: {  	[sflag:s9] =	ssyncadd.s32 $0xFFFFC000  }
0x23: {  	_ =	swait.ge [sflag:s9], $0x4000  }
.Ltmp1:
0x24: {  	[sflag:s9] =	ssyncset.done $0x0;
	(pc) =	sbr.rel @p0 .LBB2_1-.Ltmp1, $4  }
0x25: {  	[sflag:s9] =	ssyncadd.s32 $0xFFFFC000  }
0x26: {  	[hbm4b:s10+s2] =	stream.linear.scatter [tilespmem:s7], [sflag:$0x2], $0x8000, $0x38;
	[tilespmem:$0x8100] =	vst v63  }
0x27: {  	_ =	swait.ge [sflag:s3], $0x8000  }
0x28: {  	[sflag:s3] =	ssyncset.done $0x0  }
.LBB2_2:
0x29: {  	[sflag:s3] =	ssyncadd.s32 $0xFFFF8000  }
0x2a: {  	_ =	sfence.sel $0x180000  }
0x2b: {  	[bflag:$0x0] =	sbarrier.arrive $0xFFFF  }
0x2c: {  	p0 =	sne.s32 s0, $0x0;
	_ =	strace $0x90000047  }
0x2d: {  	s0 =	sadd.s32 @!p0 $0x100000, s1;
	[bflag:$0x2] =	sbarrier.arrive $0xFFFF  }
0x2e: {  	[sflag:s0] =	ssyncadd.tile.s32 @!p0 $0x1;
	_ =	shalt  }
.Lfunc_end2:
_tile_overlayer_lowered:
.L_overlay_start_2:
0x2f: {  	(tag) =	ssettag $0x2  }
0x30: {  	s0 =	rddreg [dreg:$0x0];
	s2 =	stileid.u32  }
0x31: {  	s1 =	rddreg [dreg:$0x1];
	p0 =	sne.s32 s2, $0x0  }
0x32: {  	s3 =	rddreg [dreg:$0x2];
	[bflag:$0x3] =	sbarrier.arrive $0xFFFF;
	s2 =	simm.s32 @!p0 $0x1C02  }
0x33: {  	[timem:s3], [sflag:s2] =	dma.local @!p0 [hbm:s0], s1  }
0x34: {  	s0 =	simm.s32 @!p0 $0x2  }
0x35: {  	_ =	swait.ge @!p0 [sflag:s0], s1  }
0x36: {  	s1 =	ssub.s32 @!p0 $0x0, s1;
	[sflag:s0] =	ssyncset.done @!p0 $0x0  }
0x37: {  	[sflag:s0] =	ssyncadd.s32 @!p0 s1  }
0x38: {  	[bflag:$0x3] =	sbarrier.arrive $0xFFFF  }
0x39: {  	_ =	shalt  }

</sc_bundles>
